<compile_context>
chip_gen: v7x
topology: tpu7x:2x2x1
jax: 0.10.2.dev20260603
libtpu: 0.0.44.dev20260713+nightly
codegen_flags: <defaults>
</compile_context>

<pallas_src>
import numpy as np
import jax
import jax.numpy as jnp
from jax import lax
from jax.experimental import pallas as pl
from jax.experimental.pallas import tpu as pltpu

_RES = [16, 24, 36, 54, 81, 121, 181, 271, 406, 609, 913, 1369, 2053, 3079, 4618, 6927]
_HASH = 2 ** 19
_NLEV = 16

_OFFS = np.concatenate([[0], np.cumsum([min(r ** 3, _HASH) for r in _RES])]).astype(np.int64)
_N = int(_OFFS[-1])
_M = _N * 8 // 64
_BND = (_OFFS // 8).astype(np.int32)
_CNT = (_OFFS[1:] - _OFFS[:-1]).astype(np.float64)

_BR = 1024
_NB = -(-_M // _BR)


def _onehot(g, dtype, weights=None):
    rows = g * _BR + lax.broadcasted_iota(jnp.int32, (_BR, 1), 0)
    cols = [((rows >= int(_BND[l])) & (rows < int(_BND[l + 1]))).astype(dtype)
            for l in range(_NLEV)]
    if weights is not None:
        cols = [c * float(w) for c, w in zip(cols, weights)]
    return jnp.concatenate(cols, axis=1)


def _reduce_body(x_ref, o_ref):
    g = pl.program_id(0)
    rows = g * _BR + lax.broadcasted_iota(jnp.int32, (_BR, 1), 0)
    xb = jnp.where(rows < _M, x_ref[...], 0.0)
    oh = _onehot(g, jnp.float32)
    part = lax.dot_general(oh, xb, (((0,), (0,)), ((), ())),
                           preferred_element_type=jnp.float32,
                           precision=lax.Precision.HIGHEST)

    @pl.when(g == 0)
    def _():
        o_ref[...] = jnp.zeros_like(o_ref)

    o_ref[...] += part


def _bcast_body(s_ref, a_ref, b_ref, o_ref):
    g = pl.program_id(0)
    s64 = s_ref[...]
    s8 = sum(s64[:, 8 * k:8 * k + 8] for k in range(8))
    t = lax.dot_general(s8, a_ref[...], (((1,), (0,)), ((), ())),
                        preferred_element_type=jnp.float32,
                        precision=lax.Precision.HIGHEST)
    ohw = _onehot(g, jnp.float32, weights=1.0 / _CNT)
    o_ref[...] = lax.dot_general(ohw, t, (((1,), (0,)), ((), ())),
                                 preferred_element_type=jnp.float32,
                                 precision=lax.Precision.HIGHEST) + b_ref[...]


def kernel(x, offsets, resolutions, W, b):
    n = x.shape[0]
    x64 = x.reshape(_M, 64)

    sums = pl.pallas_call(
        _reduce_body,
        grid=(_NB,),
        in_specs=[pl.BlockSpec((_BR, 64), lambda g: (g, 0))],
        out_specs=pl.BlockSpec((16, 64), lambda g: (0, 0)),
        out_shape=jax.ShapeDtypeStruct((16, 64), jnp.float32),
        compiler_params=pltpu.CompilerParams(dimension_semantics=("arbitrary",)),
    )(x64)

    a8 = jnp.kron(jnp.eye(4, dtype=jnp.float32), W.T)
    a64 = jnp.tile(a8, (1, 8))
    b64 = jnp.tile(b, 32)[None, :]

    out64 = pl.pallas_call(
        _bcast_body,
        grid=(_NB,),
        in_specs=[
            pl.BlockSpec((16, 64), lambda g: (0, 0)),
            pl.BlockSpec((8, 64), lambda g: (0, 0)),
            pl.BlockSpec((1, 64), lambda g: (0, 0)),
        ],
        out_specs=pl.BlockSpec((_BR, 64), lambda g: (g, 0)),
        out_shape=jax.ShapeDtypeStruct((_M, 64), jnp.float32),
        compiler_params=pltpu.CompilerParams(dimension_semantics=("arbitrary",)),
    )(sums, a64, b64)

    return out64.reshape(n, 4, 2)

# --- scband reference (transcript-rebuilt; emitter-appended) ---
"""Pipeline reference for scband-abstract-context-layer-63350767616448 (READ-ONLY COPY).

The authoritative reference and input builder live on the scoring server;
editing this copy changes nothing except your own understanding.
"""

import jax, jax.numpy as jnp
import numpy as np

NUM_LEVELS = 16
HASHMAP_SIZE = 2 ** 19
RESOLUTIONS = [16, 24, 36, 54, 81, 121, 181, 271, 406, 609, 913, 1369, 2053, 3079, 4618, 6927]
B = 4
C_IN = 2
C_OUT = 2


def _make_offsets():
    offs = [0]
    for r in RESOLUTIONS:
        offs.append(offs[-1] + min(r ** 3, HASHMAP_SIZE))
    return np.asarray(offs, dtype=np.int64)


def setup_inputs(seed: int = 0) -> dict:
    key = jax.random.key(seed)
    k1, k2 = jax.random.split(key, 2)
    offsets = _make_offsets()
    N = int(offsets[-1])
    x = jax.random.normal(k1, (N, B, C_IN), dtype=jnp.float32)
    # nn.Linear(channels_in, channels_out) with kaiming_uniform (leaky_relu) init, zero bias
    bound = float(np.sqrt(6.0 / ((1.0 + 0.01 ** 2) * C_IN)))
    W = jax.random.uniform(k2, (C_OUT, C_IN), minval=-bound, maxval=bound, dtype=jnp.float32)
    b = jnp.zeros((C_OUT,), dtype=jnp.float32)
    return {
        "x": x,
        "offsets": jnp.asarray(offsets),
        "resolutions": jnp.asarray(RESOLUTIONS, dtype=jnp.int32),
        "W": W,
        "b": b,
    }


def reference(x, offsets, resolutions, W, b):
    # Abstract context function: for each hash-grid level (segment of the table
    # delimited by `offsets`), compute the mean context feature over that level's
    # entries and broadcast it back to every entry of the level (output has the
    # same shape as the input, as in the CUDA kernel which writes into
    # zeros_like(input)). Then apply the coupled affine transform.
    N, Bdim, Cdim = x.shape
    entry_idx = jnp.arange(N)
    seg_ids = jnp.searchsorted(offsets[1:], entry_idx, side="right")
    flat = x.reshape(N, Bdim * Cdim)
    sums = jax.ops.segment_sum(flat, seg_ids, num_segments=NUM_LEVELS)
    counts = jax.ops.segment_sum(jnp.ones((N,), dtype=x.dtype), seg_ids, num_segments=NUM_LEVELS)
    means = sums / counts[:, None]
    y = jnp.take(means, seg_ids, axis=0).reshape(N, Bdim, Cdim)
    # affine: nn.Linear on last dim
    out = y @ W.T + b
    return out

if __name__ == "__main__":
    import jax
    _d = setup_inputs()
    print(jax.jit(kernel)(*tuple(_d.values())))

</pallas_src>

<mosaic_0001>
module attributes {stable_mosaic.version = 14 : i64} {
  func.func @_reduce_body(%arg0: i32, %arg1: memref<1024x64xf32, #tpu.memory_space<vmem>>, %arg2: memref<16x64xf32, #tpu.memory_space<vmem>>) attributes {dimension_semantics = [#tpu.dimension_semantics<arbitrary>], iteration_bounds = array<i64: 796>, scalar_prefetch = 0 : i64, scratch_operands = 0 : i64, tpu.core_type = #tpu.core_type<tc>, window_params = [{transform_indices = @transform_0, window_bounds = array<i64: 1024, 64>}, {pipeline_mode = #tpu.pipeline_mode<synchronous>, transform_indices = @transform_1, window_bounds = array<i64: 16, 64>}]} {
    %mul3A = arith.constant 1024 : i32
    %mul3A_0 = arith.muli %arg0, %mul3A : i32
    %iota3A = tpu.iota {dimensions = array<i32: 0>} : vector<1024x1xi32>
    %add3A = vector.broadcast %mul3A_0 : i32 to vector<1024x1xi32>
    %add3A_1 = arith.addi %add3A, %iota3A : vector<1024x1xi32>
    %lt3A = arith.constant 814187 : i32
    %lt3A_2 = vector.broadcast %lt3A : i32 to vector<1024x1xi32>
    %lt3A_3 = arith.cmpi slt, %add3A_1, %lt3A_2 : vector<1024x1xi32>
    %get3A = arith.constant 0 : index
    %get3A_4 = arith.constant 0 : index
    %get3A_5 = vector.load %arg1[%get3A, %get3A_4] : memref<1024x64xf32, #tpu.memory_space<vmem>>, vector<1024x64xf32>
    %jit3A = arith.constant 0.000000e+00 : f32
    %broadcast_in_dim3A = vector.shape_cast %lt3A_3 : vector<1024x1xi1> to vector<1024x1xi1>
    %broadcast_in_dim3A_6 = vector.broadcast %broadcast_in_dim3A : vector<1024x1xi1> to vector<1024x64xi1>
    %broadcast_in_dim3A_7 = vector.broadcast %jit3A : f32 to vector<1024x64xf32>
    %select_n3A = arith.select %broadcast_in_dim3A_6, %get3A_5, %broadcast_in_dim3A_7 : vector<1024x64xi1>, vector<1024x64xf32>
    %mul3A_8 = arith.constant 1024 : i32
    %mul3A_9 = arith.muli %arg0, %mul3A_8 : i32
    %iota3A_10 = tpu.iota {dimensions = array<i32: 0>} : vector<1024x1xi32>
    %add3A_11 = vector.broadcast %mul3A_9 : i32 to vector<1024x1xi32>
    %add3A_12 = arith.addi %add3A_11, %iota3A_10 : vector<1024x1xi32>
    %ge3A = arith.constant 0 : i32
    %ge3A_13 = vector.broadcast %ge3A : i32 to vector<1024x1xi32>
    %ge3A_14 = arith.cmpi sge, %add3A_12, %ge3A_13 : vector<1024x1xi32>
    %lt3A_15 = arith.constant 512 : i32
    %lt3A_16 = vector.broadcast %lt3A_15 : i32 to vector<1024x1xi32>
    %lt3A_17 = arith.cmpi slt, %add3A_12, %lt3A_16 : vector<1024x1xi32>
    %and3A = arith.andi %ge3A_14, %lt3A_17 : vector<1024x1xi1>
    %convert_element_type3A = arith.extui %and3A : vector<1024x1xi1> to vector<1024x1xi32>
    %convert_element_type3A_18 = arith.sitofp %convert_element_type3A : vector<1024x1xi32> to vector<1024x1xf32>
    %ge3A_19 = arith.constant 512 : i32
    %ge3A_20 = vector.broadcast %ge3A_19 : i32 to vector<1024x1xi32>
    %ge3A_21 = arith.cmpi sge, %add3A_12, %ge3A_20 : vector<1024x1xi32>
    %lt3A_22 = arith.constant 2240 : i32
    %lt3A_23 = vector.broadcast %lt3A_22 : i32 to vector<1024x1xi32>
    %lt3A_24 = arith.cmpi slt, %add3A_12, %lt3A_23 : vector<1024x1xi32>
    %and3A_25 = arith.andi %ge3A_21, %lt3A_24 : vector<1024x1xi1>
    %convert_element_type3A_26 = arith.extui %and3A_25 : vector<1024x1xi1> to vector<1024x1xi32>
    %convert_element_type3A_27 = arith.sitofp %convert_element_type3A_26 : vector<1024x1xi32> to vector<1024x1xf32>
    %ge3A_28 = arith.constant 2240 : i32
    %ge3A_29 = vector.broadcast %ge3A_28 : i32 to vector<1024x1xi32>
    %ge3A_30 = arith.cmpi sge, %add3A_12, %ge3A_29 : vector<1024x1xi32>
    %lt3A_31 = arith.constant 8072 : i32
    %lt3A_32 = vector.broadcast %lt3A_31 : i32 to vector<1024x1xi32>
    %lt3A_33 = arith.cmpi slt, %add3A_12, %lt3A_32 : vector<1024x1xi32>
    %and3A_34 = arith.andi %ge3A_30, %lt3A_33 : vector<1024x1xi1>
    %convert_element_type3A_35 = arith.extui %and3A_34 : vector<1024x1xi1> to vector<1024x1xi32>
    %convert_element_type3A_36 = arith.sitofp %convert_element_type3A_35 : vector<1024x1xi32> to vector<1024x1xf32>
    %ge3A_37 = arith.constant 8072 : i32
    %ge3A_38 = vector.broadcast %ge3A_37 : i32 to vector<1024x1xi32>
    %ge3A_39 = arith.cmpi sge, %add3A_12, %ge3A_38 : vector<1024x1xi32>
    %lt3A_40 = arith.constant 27755 : i32
    %lt3A_41 = vector.broadcast %lt3A_40 : i32 to vector<1024x1xi32>
    %lt3A_42 = arith.cmpi slt, %add3A_12, %lt3A_41 : vector<1024x1xi32>
    %and3A_43 = arith.andi %ge3A_39, %lt3A_42 : vector<1024x1xi1>
    %convert_element_type3A_44 = arith.extui %and3A_43 : vector<1024x1xi1> to vector<1024x1xi32>
    %convert_element_type3A_45 = arith.sitofp %convert_element_type3A_44 : vector<1024x1xi32> to vector<1024x1xf32>
    %ge3A_46 = arith.constant 27755 : i32
    %ge3A_47 = vector.broadcast %ge3A_46 : i32 to vector<1024x1xi32>
    %ge3A_48 = arith.cmpi sge, %add3A_12, %ge3A_47 : vector<1024x1xi32>
    %lt3A_49 = arith.constant 93291 : i32
    %lt3A_50 = vector.broadcast %lt3A_49 : i32 to vector<1024x1xi32>
    %lt3A_51 = arith.cmpi slt, %add3A_12, %lt3A_50 : vector<1024x1xi32>
    %and3A_52 = arith.andi %ge3A_48, %lt3A_51 : vector<1024x1xi1>
    %convert_element_type3A_53 = arith.extui %and3A_52 : vector<1024x1xi1> to vector<1024x1xi32>
    %convert_element_type3A_54 = arith.sitofp %convert_element_type3A_53 : vector<1024x1xi32> to vector<1024x1xf32>
    %ge3A_55 = arith.constant 93291 : i32
    %ge3A_56 = vector.broadcast %ge3A_55 : i32 to vector<1024x1xi32>
    %ge3A_57 = arith.cmpi sge, %add3A_12, %ge3A_56 : vector<1024x1xi32>
    %lt3A_58 = arith.constant 158827 : i32
    %lt3A_59 = vector.broadcast %lt3A_58 : i32 to vector<1024x1xi32>
    %lt3A_60 = arith.cmpi slt, %add3A_12, %lt3A_59 : vector<1024x1xi32>
    %and3A_61 = arith.andi %ge3A_57, %lt3A_60 : vector<1024x1xi1>
    %convert_element_type3A_62 = arith.extui %and3A_61 : vector<1024x1xi1> to vector<1024x1xi32>
    %convert_element_type3A_63 = arith.sitofp %convert_element_type3A_62 : vector<1024x1xi32> to vector<1024x1xf32>
    %ge3A_64 = arith.constant 158827 : i32
    %ge3A_65 = vector.broadcast %ge3A_64 : i32 to vector<1024x1xi32>
    %ge3A_66 = arith.cmpi sge, %add3A_12, %ge3A_65 : vector<1024x1xi32>
    %lt3A_67 = arith.constant 224363 : i32
    %lt3A_68 = vector.broadcast %lt3A_67 : i32 to vector<1024x1xi32>
    %lt3A_69 = arith.cmpi slt, %add3A_12, %lt3A_68 : vector<1024x1xi32>
    %and3A_70 = arith.andi %ge3A_66, %lt3A_69 : vector<1024x1xi1>
    %convert_element_type3A_71 = arith.extui %and3A_70 : vector<1024x1xi1> to vector<1024x1xi32>
    %convert_element_type3A_72 = arith.sitofp %convert_element_type3A_71 : vector<1024x1xi32> to vector<1024x1xf32>
    %ge3A_73 = arith.constant 224363 : i32
    %ge3A_74 = vector.broadcast %ge3A_73 : i32 to vector<1024x1xi32>
    %ge3A_75 = arith.cmpi sge, %add3A_12, %ge3A_74 : vector<1024x1xi32>
    %lt3A_76 = arith.constant 289899 : i32
    %lt3A_77 = vector.broadcast %lt3A_76 : i32 to vector<1024x1xi32>
    %lt3A_78 = arith.cmpi slt, %add3A_12, %lt3A_77 : vector<1024x1xi32>
    %and3A_79 = arith.andi %ge3A_75, %lt3A_78 : vector<1024x1xi1>
    %convert_element_type3A_80 = arith.extui %and3A_79 : vector<1024x1xi1> to vector<1024x1xi32>
    %convert_element_type3A_81 = arith.sitofp %convert_element_type3A_80 : vector<1024x1xi32> to vector<1024x1xf32>
    %ge3A_82 = arith.constant 289899 : i32
    %ge3A_83 = vector.broadcast %ge3A_82 : i32 to vector<1024x1xi32>
    %ge3A_84 = arith.cmpi sge, %add3A_12, %ge3A_83 : vector<1024x1xi32>
    %lt3A_85 = arith.constant 355435 : i32
    %lt3A_86 = vector.broadcast %lt3A_85 : i32 to vector<1024x1xi32>
    %lt3A_87 = arith.cmpi slt, %add3A_12, %lt3A_86 : vector<1024x1xi32>
    %and3A_88 = arith.andi %ge3A_84, %lt3A_87 : vector<1024x1xi1>
    %convert_element_type3A_89 = arith.extui %and3A_88 : vector<1024x1xi1> to vector<1024x1xi32>
    %convert_element_type3A_90 = arith.sitofp %convert_element_type3A_89 : vector<1024x1xi32> to vector<1024x1xf32>
    %ge3A_91 = arith.constant 355435 : i32
    %ge3A_92 = vector.broadcast %ge3A_91 : i32 to vector<1024x1xi32>
    %ge3A_93 = arith.cmpi sge, %add3A_12, %ge3A_92 : vector<1024x1xi32>
    %lt3A_94 = arith.constant 420971 : i32
    %lt3A_95 = vector.broadcast %lt3A_94 : i32 to vector<1024x1xi32>
    %lt3A_96 = arith.cmpi slt, %add3A_12, %lt3A_95 : vector<1024x1xi32>
    %and3A_97 = arith.andi %ge3A_93, %lt3A_96 : vector<1024x1xi1>
    %convert_element_type3A_98 = arith.extui %and3A_97 : vector<1024x1xi1> to vector<1024x1xi32>
    %convert_element_type3A_99 = arith.sitofp %convert_element_type3A_98 : vector<1024x1xi32> to vector<1024x1xf32>
    %ge3A_100 = arith.constant 420971 : i32
    %ge3A_101 = vector.broadcast %ge3A_100 : i32 to vector<1024x1xi32>
    %ge3A_102 = arith.cmpi sge, %add3A_12, %ge3A_101 : vector<1024x1xi32>
    %lt3A_103 = arith.constant 486507 : i32
    %lt3A_104 = vector.broadcast %lt3A_103 : i32 to vector<1024x1xi32>
    %lt3A_105 = arith.cmpi slt, %add3A_12, %lt3A_104 : vector<1024x1xi32>
    %and3A_106 = arith.andi %ge3A_102, %lt3A_105 : vector<1024x1xi1>
    %convert_element_type3A_107 = arith.extui %and3A_106 : vector<1024x1xi1> to vector<1024x1xi32>
    %convert_element_type3A_108 = arith.sitofp %convert_element_type3A_107 : vector<1024x1xi32> to vector<1024x1xf32>
    %ge3A_109 = arith.constant 486507 : i32
    %ge3A_110 = vector.broadcast %ge3A_109 : i32 to vector<1024x1xi32>
    %ge3A_111 = arith.cmpi sge, %add3A_12, %ge3A_110 : vector<1024x1xi32>
    %lt3A_112 = arith.constant 552043 : i32
    %lt3A_113 = vector.broadcast %lt3A_112 : i32 to vector<1024x1xi32>
    %lt3A_114 = arith.cmpi slt, %add3A_12, %lt3A_113 : vector<1024x1xi32>
    %and3A_115 = arith.andi %ge3A_111, %lt3A_114 : vector<1024x1xi1>
    %convert_element_type3A_116 = arith.extui %and3A_115 : vector<1024x1xi1> to vector<1024x1xi32>
    %convert_element_type3A_117 = arith.sitofp %convert_element_type3A_116 : vector<1024x1xi32> to vector<1024x1xf32>
    %ge3A_118 = arith.constant 552043 : i32
    %ge3A_119 = vector.broadcast %ge3A_118 : i32 to vector<1024x1xi32>
    %ge3A_120 = arith.cmpi sge, %add3A_12, %ge3A_119 : vector<1024x1xi32>
    %lt3A_121 = arith.constant 617579 : i32
    %lt3A_122 = vector.broadcast %lt3A_121 : i32 to vector<1024x1xi32>
    %lt3A_123 = arith.cmpi slt, %add3A_12, %lt3A_122 : vector<1024x1xi32>
    %and3A_124 = arith.andi %ge3A_120, %lt3A_123 : vector<1024x1xi1>
    %convert_element_type3A_125 = arith.extui %and3A_124 : vector<1024x1xi1> to vector<1024x1xi32>
    %convert_element_type3A_126 = arith.sitofp %convert_element_type3A_125 : vector<1024x1xi32> to vector<1024x1xf32>
    %ge3A_127 = arith.constant 617579 : i32
    %ge3A_128 = vector.broadcast %ge3A_127 : i32 to vector<1024x1xi32>
    %ge3A_129 = arith.cmpi sge, %add3A_12, %ge3A_128 : vector<1024x1xi32>
    %lt3A_130 = arith.constant 683115 : i32
    %lt3A_131 = vector.broadcast %lt3A_130 : i32 to vector<1024x1xi32>
    %lt3A_132 = arith.cmpi slt, %add3A_12, %lt3A_131 : vector<1024x1xi32>
    %and3A_133 = arith.andi %ge3A_129, %lt3A_132 : vector<1024x1xi1>
    %convert_element_type3A_134 = arith.extui %and3A_133 : vector<1024x1xi1> to vector<1024x1xi32>
    %convert_element_type3A_135 = arith.sitofp %convert_element_type3A_134 : vector<1024x1xi32> to vector<1024x1xf32>
    %ge3A_136 = arith.constant 683115 : i32
    %ge3A_137 = vector.broadcast %ge3A_136 : i32 to vector<1024x1xi32>
    %ge3A_138 = arith.cmpi sge, %add3A_12, %ge3A_137 : vector<1024x1xi32>
    %lt3A_139 = arith.constant 748651 : i32
    %lt3A_140 = vector.broadcast %lt3A_139 : i32 to vector<1024x1xi32>
    %lt3A_141 = arith.cmpi slt, %add3A_12, %lt3A_140 : vector<1024x1xi32>
    %and3A_142 = arith.andi %ge3A_138, %lt3A_141 : vector<1024x1xi1>
    %convert_element_type3A_143 = arith.extui %and3A_142 : vector<1024x1xi1> to vector<1024x1xi32>
    %convert_element_type3A_144 = arith.sitofp %convert_element_type3A_143 : vector<1024x1xi32> to vector<1024x1xf32>
    %ge3A_145 = arith.constant 748651 : i32
    %ge3A_146 = vector.broadcast %ge3A_145 : i32 to vector<1024x1xi32>
    %ge3A_147 = arith.cmpi sge, %add3A_12, %ge3A_146 : vector<1024x1xi32>
    %lt3A_148 = arith.constant 814187 : i32
    %lt3A_149 = vector.broadcast %lt3A_148 : i32 to vector<1024x1xi32>
    %lt3A_150 = arith.cmpi slt, %add3A_12, %lt3A_149 : vector<1024x1xi32>
    %and3A_151 = arith.andi %ge3A_147, %lt3A_150 : vector<1024x1xi1>
    %convert_element_type3A_152 = arith.extui %and3A_151 : vector<1024x1xi1> to vector<1024x1xi32>
    %convert_element_type3A_153 = arith.sitofp %convert_element_type3A_152 : vector<1024x1xi32> to vector<1024x1xf32>
    %concatenate3A = tpu.concatenate %convert_element_type3A_18, %convert_element_type3A_27, %convert_element_type3A_36, %convert_element_type3A_45, %convert_element_type3A_54, %convert_element_type3A_63, %convert_element_type3A_72, %convert_element_type3A_81, %convert_element_type3A_90, %convert_element_type3A_99, %convert_element_type3A_108, %convert_element_type3A_117, %convert_element_type3A_126, %convert_element_type3A_135, %convert_element_type3A_144, %convert_element_type3A_153 in 1 : vector<1024x1xf32>, vector<1024x1xf32>, vector<1024x1xf32>, vector<1024x1xf32>, vector<1024x1xf32>, vector<1024x1xf32>, vector<1024x1xf32>, vector<1024x1xf32>, vector<1024x1xf32>, vector<1024x1xf32>, vector<1024x1xf32>, vector<1024x1xf32>, vector<1024x1xf32>, vector<1024x1xf32>, vector<1024x1xf32>, vector<1024x1xf32> -> vector<1024x16xf32>
    %dot_general3A = arith.constant dense<0.000000e+00> : vector<16x64xf32>
    %dot_general3A_154 = tpu.matmul %concatenate3A, %select_n3A, %dot_general3A {dimension_numbers = #tpu.dot_dimension_numbers<[0], [0], [1], [1], [0, 1, 1, 1], [], []>, precision = #tpu.contract_precision<fp32>, transpose_lhs_hint = false} : vector<1024x16xf32>, vector<1024x64xf32>, vector<16x64xf32> -> vector<16x64xf32>
    %eq3A = arith.constant 0 : i32
    %eq3A_155 = arith.cmpi eq, %arg0, %eq3A : i32
    %convert_element_type3A_156 = arith.extui %eq3A_155 : i1 to i32
    %cond3A = arith.constant 0 : i32
    %cond3A_157 = arith.cmpi ne, %convert_element_type3A_156, %cond3A : i32
    scf.if %cond3A_157 {
      %broadcast_in_dim3A_164 = arith.constant 0.000000e+00 : f32
      %broadcast_in_dim3A_165 = vector.broadcast %broadcast_in_dim3A_164 : f32 to vector<16x64xf32>
      %swap3A_166 = arith.constant 0 : index
      %swap3A_167 = arith.constant 0 : index
      %swap3A_168 = vector.load %arg2[%swap3A_166, %swap3A_167] : memref<16x64xf32, #tpu.memory_space<vmem>>, vector<16x64xf32>
      tpu.vector_store %arg2[%swap3A_166, %swap3A_167], %broadcast_in_dim3A_165 {strides = array<i32>} : memref<16x64xf32, #tpu.memory_space<vmem>>, vector<16x64xf32>,
    } else {
    }
    %get3A_158 = arith.constant 0 : index
    %get3A_159 = arith.constant 0 : index
    %get3A_160 = vector.load %arg2[%get3A_158, %get3A_159] : memref<16x64xf32, #tpu.memory_space<vmem>>, vector<16x64xf32>
    %add3A_161 = arith.addf %get3A_160, %dot_general3A_154 : vector<16x64xf32>
    %swap3A = arith.constant 0 : index
    %swap3A_162 = arith.constant 0 : index
    %swap3A_163 = vector.load %arg2[%swap3A, %swap3A_162] : memref<16x64xf32, #tpu.memory_space<vmem>>, vector<16x64xf32>
    tpu.vector_store %arg2[%swap3A, %swap3A_162], %add3A_161 {strides = array<i32>} : memref<16x64xf32, #tpu.memory_space<vmem>>, vector<16x64xf32>,
    return
  }
  func.func @transform_0(%arg0: i32) -> (i32, i32) {
    %c0_i32 = arith.constant 0 : i32
    %c0_i32_0 = arith.constant 0 : i32
    return %arg0, %c0_i32 : i32, i32
  }
  func.func @transform_1(%arg0: i32) -> (i32, i32) {
    %c0_i32 = arith.constant 0 : i32
    %c0_i32_0 = arith.constant 0 : i32
    %c0_i32_1 = arith.constant 0 : i32
    return %c0_i32, %c0_i32_0 : i32, i32
  }
}

module attributes {stable_mosaic.version = 14 : i64} {
  func.func @_bcast_body(%arg0: i32, %arg1: memref<16x64xf32, #tpu.memory_space<vmem>>, %arg2: memref<8x64xf32, #tpu.memory_space<vmem>>, %arg3: memref<1x64xf32, #tpu.memory_space<vmem>>, %arg4: memref<1024x64xf32, #tpu.memory_space<vmem>>) attributes {dimension_semantics = [#tpu.dimension_semantics<arbitrary>], iteration_bounds = array<i64: 796>, scalar_prefetch = 0 : i64, scratch_operands = 0 : i64, tpu.core_type = #tpu.core_type<tc>, window_params = [{pipeline_mode = #tpu.pipeline_mode<synchronous>, transform_indices = @transform_0, window_bounds = array<i64: 16, 64>}, {pipeline_mode = #tpu.pipeline_mode<synchronous>, transform_indices = @transform_1, window_bounds = array<i64: 8, 64>}, {pipeline_mode = #tpu.pipeline_mode<synchronous>, transform_indices = @transform_2, window_bounds = array<i64: 1, 64>}, {transform_indices = @transform_3, window_bounds = array<i64: 1024, 64>}]} {
    %get3A = arith.constant 0 : index
    %get3A_0 = arith.constant 0 : index
    %get3A_1 = vector.load %arg1[%get3A, %get3A_0] : memref<16x64xf32, #tpu.memory_space<vmem>>, vector<16x64xf32>
    %slice3A = vector.extract_strided_slice %get3A_1 {offsets = [0, 0], sizes = [16, 8], strides = [1, 1]} : vector<16x64xf32> to vector<16x8xf32>
    %add3A = arith.constant 0.000000e+00 : f32
    %add3A_2 = vector.broadcast %add3A : f32 to vector<16x8xf32>
    %add3A_3 = arith.addf %add3A_2, %slice3A : vector<16x8xf32>
    %slice3A_4 = vector.extract_strided_slice %get3A_1 {offsets = [0, 8], sizes = [16, 8], strides = [1, 1]} : vector<16x64xf32> to vector<16x8xf32>
    %add3A_5 = arith.addf %add3A_3, %slice3A_4 : vector<16x8xf32>
    %slice3A_6 = vector.extract_strided_slice %get3A_1 {offsets = [0, 16], sizes = [16, 8], strides = [1, 1]} : vector<16x64xf32> to vector<16x8xf32>
    %add3A_7 = arith.addf %add3A_5, %slice3A_6 : vector<16x8xf32>
    %slice3A_8 = vector.extract_strided_slice %get3A_1 {offsets = [0, 24], sizes = [16, 8], strides = [1, 1]} : vector<16x64xf32> to vector<16x8xf32>
    %add3A_9 = arith.addf %add3A_7, %slice3A_8 : vector<16x8xf32>
    %slice3A_10 = vector.extract_strided_slice %get3A_1 {offsets = [0, 32], sizes = [16, 8], strides = [1, 1]} : vector<16x64xf32> to vector<16x8xf32>
    %add3A_11 = arith.addf %add3A_9, %slice3A_10 : vector<16x8xf32>
    %slice3A_12 = vector.extract_strided_slice %get3A_1 {offsets = [0, 40], sizes = [16, 8], strides = [1, 1]} : vector<16x64xf32> to vector<16x8xf32>
    %add3A_13 = arith.addf %add3A_11, %slice3A_12 : vector<16x8xf32>
    %slice3A_14 = vector.extract_strided_slice %get3A_1 {offsets = [0, 48], sizes = [16, 8], strides = [1, 1]} : vector<16x64xf32> to vector<16x8xf32>
    %add3A_15 = arith.addf %add3A_13, %slice3A_14 : vector<16x8xf32>
    %slice3A_16 = vector.extract_strided_slice %get3A_1 {offsets = [0, 56], sizes = [16, 8], strides = [1, 1]} : vector<16x64xf32> to vector<16x8xf32>
    %add3A_17 = arith.addf %add3A_15, %slice3A_16 : vector<16x8xf32>
    %get3A_18 = arith.constant 0 : index
    %get3A_19 = arith.constant 0 : index
    %get3A_20 = vector.load %arg2[%get3A_18, %get3A_19] : memref<8x64xf32, #tpu.memory_space<vmem>>, vector<8x64xf32>
    %dot_general3A = arith.constant dense<0.000000e+00> : vector<16x64xf32>
    %dot_general3A_21 = tpu.matmul %add3A_17, %get3A_20, %dot_general3A {dimension_numbers = #tpu.dot_dimension_numbers<[1], [0], [0], [1], [0, 0, 1, 1], [], []>, precision = #tpu.contract_precision<fp32>, transpose_lhs_hint = false} : vector<16x8xf32>, vector<8x64xf32>, vector<16x64xf32> -> vector<16x64xf32>
    %mul3A = arith.constant 1024 : i32
    %mul3A_22 = arith.muli %arg0, %mul3A : i32
    %iota3A = tpu.iota {dimensions = array<i32: 0>} : vector<1024x1xi32>
    %add3A_23 = vector.broadcast %mul3A_22 : i32 to vector<1024x1xi32>
    %add3A_24 = arith.addi %add3A_23, %iota3A : vector<1024x1xi32>
    %ge3A = arith.constant 0 : i32
    %ge3A_25 = vector.broadcast %ge3A : i32 to vector<1024x1xi32>
    %ge3A_26 = arith.cmpi sge, %add3A_24, %ge3A_25 : vector<1024x1xi32>
    %lt3A = arith.constant 512 : i32
    %lt3A_27 = vector.broadcast %lt3A : i32 to vector<1024x1xi32>
    %lt3A_28 = arith.cmpi slt, %add3A_24, %lt3A_27 : vector<1024x1xi32>
    %and3A = arith.andi %ge3A_26, %lt3A_28 : vector<1024x1xi1>
    %convert_element_type3A = arith.extui %and3A : vector<1024x1xi1> to vector<1024x1xi32>
    %convert_element_type3A_29 = arith.sitofp %convert_element_type3A : vector<1024x1xi32> to vector<1024x1xf32>
    %ge3A_30 = arith.constant 512 : i32
    %ge3A_31 = vector.broadcast %ge3A_30 : i32 to vector<1024x1xi32>
    %ge3A_32 = arith.cmpi sge, %add3A_24, %ge3A_31 : vector<1024x1xi32>
    %lt3A_33 = arith.constant 2240 : i32
    %lt3A_34 = vector.broadcast %lt3A_33 : i32 to vector<1024x1xi32>
    %lt3A_35 = arith.cmpi slt, %add3A_24, %lt3A_34 : vector<1024x1xi32>
    %and3A_36 = arith.andi %ge3A_32, %lt3A_35 : vector<1024x1xi1>
    %convert_element_type3A_37 = arith.extui %and3A_36 : vector<1024x1xi1> to vector<1024x1xi32>
    %convert_element_type3A_38 = arith.sitofp %convert_element_type3A_37 : vector<1024x1xi32> to vector<1024x1xf32>
    %ge3A_39 = arith.constant 2240 : i32
    %ge3A_40 = vector.broadcast %ge3A_39 : i32 to vector<1024x1xi32>
    %ge3A_41 = arith.cmpi sge, %add3A_24, %ge3A_40 : vector<1024x1xi32>
    %lt3A_42 = arith.constant 8072 : i32
    %lt3A_43 = vector.broadcast %lt3A_42 : i32 to vector<1024x1xi32>
    %lt3A_44 = arith.cmpi slt, %add3A_24, %lt3A_43 : vector<1024x1xi32>
    %and3A_45 = arith.andi %ge3A_41, %lt3A_44 : vector<1024x1xi1>
    %convert_element_type3A_46 = arith.extui %and3A_45 : vector<1024x1xi1> to vector<1024x1xi32>
    %convert_element_type3A_47 = arith.sitofp %convert_element_type3A_46 : vector<1024x1xi32> to vector<1024x1xf32>
    %ge3A_48 = arith.constant 8072 : i32
    %ge3A_49 = vector.broadcast %ge3A_48 : i32 to vector<1024x1xi32>
    %ge3A_50 = arith.cmpi sge, %add3A_24, %ge3A_49 : vector<1024x1xi32>
    %lt3A_51 = arith.constant 27755 : i32
    %lt3A_52 = vector.broadcast %lt3A_51 : i32 to vector<1024x1xi32>
    %lt3A_53 = arith.cmpi slt, %add3A_24, %lt3A_52 : vector<1024x1xi32>
    %and3A_54 = arith.andi %ge3A_50, %lt3A_53 : vector<1024x1xi1>
    %convert_element_type3A_55 = arith.extui %and3A_54 : vector<1024x1xi1> to vector<1024x1xi32>
    %convert_element_type3A_56 = arith.sitofp %convert_element_type3A_55 : vector<1024x1xi32> to vector<1024x1xf32>
    %ge3A_57 = arith.constant 27755 : i32
    %ge3A_58 = vector.broadcast %ge3A_57 : i32 to vector<1024x1xi32>
    %ge3A_59 = arith.cmpi sge, %add3A_24, %ge3A_58 : vector<1024x1xi32>
    %lt3A_60 = arith.constant 93291 : i32
    %lt3A_61 = vector.broadcast %lt3A_60 : i32 to vector<1024x1xi32>
    %lt3A_62 = arith.cmpi slt, %add3A_24, %lt3A_61 : vector<1024x1xi32>
    %and3A_63 = arith.andi %ge3A_59, %lt3A_62 : vector<1024x1xi1>
    %convert_element_type3A_64 = arith.extui %and3A_63 : vector<1024x1xi1> to vector<1024x1xi32>
    %convert_element_type3A_65 = arith.sitofp %convert_element_type3A_64 : vector<1024x1xi32> to vector<1024x1xf32>
    %ge3A_66 = arith.constant 93291 : i32
    %ge3A_67 = vector.broadcast %ge3A_66 : i32 to vector<1024x1xi32>
    %ge3A_68 = arith.cmpi sge, %add3A_24, %ge3A_67 : vector<1024x1xi32>
    %lt3A_69 = arith.constant 158827 : i32
    %lt3A_70 = vector.broadcast %lt3A_69 : i32 to vector<1024x1xi32>
    %lt3A_71 = arith.cmpi slt, %add3A_24, %lt3A_70 : vector<1024x1xi32>
    %and3A_72 = arith.andi %ge3A_68, %lt3A_71 : vector<1024x1xi1>
    %convert_element_type3A_73 = arith.extui %and3A_72 : vector<1024x1xi1> to vector<1024x1xi32>
    %convert_element_type3A_74 = arith.sitofp %convert_element_type3A_73 : vector<1024x1xi32> to vector<1024x1xf32>
    %ge3A_75 = arith.constant 158827 : i32
    %ge3A_76 = vector.broadcast %ge3A_75 : i32 to vector<1024x1xi32>
    %ge3A_77 = arith.cmpi sge, %add3A_24, %ge3A_76 : vector<1024x1xi32>
    %lt3A_78 = arith.constant 224363 : i32
    %lt3A_79 = vector.broadcast %lt3A_78 : i32 to vector<1024x1xi32>
    %lt3A_80 = arith.cmpi slt, %add3A_24, %lt3A_79 : vector<1024x1xi32>
    %and3A_81 = arith.andi %ge3A_77, %lt3A_80 : vector<1024x1xi1>
    %convert_element_type3A_82 = arith.extui %and3A_81 : vector<1024x1xi1> to vector<1024x1xi32>
    %convert_element_type3A_83 = arith.sitofp %convert_element_type3A_82 : vector<1024x1xi32> to vector<1024x1xf32>
    %ge3A_84 = arith.constant 224363 : i32
    %ge3A_85 = vector.broadcast %ge3A_84 : i32 to vector<1024x1xi32>
    %ge3A_86 = arith.cmpi sge, %add3A_24, %ge3A_85 : vector<1024x1xi32>
    %lt3A_87 = arith.constant 289899 : i32
    %lt3A_88 = vector.broadcast %lt3A_87 : i32 to vector<1024x1xi32>
    %lt3A_89 = arith.cmpi slt, %add3A_24, %lt3A_88 : vector<1024x1xi32>
    %and3A_90 = arith.andi %ge3A_86, %lt3A_89 : vector<1024x1xi1>
    %convert_element_type3A_91 = arith.extui %and3A_90 : vector<1024x1xi1> to vector<1024x1xi32>
    %convert_element_type3A_92 = arith.sitofp %convert_element_type3A_91 : vector<1024x1xi32> to vector<1024x1xf32>
    %ge3A_93 = arith.constant 289899 : i32
    %ge3A_94 = vector.broadcast %ge3A_93 : i32 to vector<1024x1xi32>
    %ge3A_95 = arith.cmpi sge, %add3A_24, %ge3A_94 : vector<1024x1xi32>
    %lt3A_96 = arith.constant 355435 : i32
    %lt3A_97 = vector.broadcast %lt3A_96 : i32 to vector<1024x1xi32>
    %lt3A_98 = arith.cmpi slt, %add3A_24, %lt3A_97 : vector<1024x1xi32>
    %and3A_99 = arith.andi %ge3A_95, %lt3A_98 : vector<1024x1xi1>
    %convert_element_type3A_100 = arith.extui %and3A_99 : vector<1024x1xi1> to vector<1024x1xi32>
    %convert_element_type3A_101 = arith.sitofp %convert_element_type3A_100 : vector<1024x1xi32> to vector<1024x1xf32>
    %ge3A_102 = arith.constant 355435 : i32
    %ge3A_103 = vector.broadcast %ge3A_102 : i32 to vector<1024x1xi32>
    %ge3A_104 = arith.cmpi sge, %add3A_24, %ge3A_103 : vector<1024x1xi32>
    %lt3A_105 = arith.constant 420971 : i32
    %lt3A_106 = vector.broadcast %lt3A_105 : i32 to vector<1024x1xi32>
    %lt3A_107 = arith.cmpi slt, %add3A_24, %lt3A_106 : vector<1024x1xi32>
    %and3A_108 = arith.andi %ge3A_104, %lt3A_107 : vector<1024x1xi1>
    %convert_element_type3A_109 = arith.extui %and3A_108 : vector<1024x1xi1> to vector<1024x1xi32>
    %convert_element_type3A_110 = arith.sitofp %convert_element_type3A_109 : vector<1024x1xi32> to vector<1024x1xf32>
    %ge3A_111 = arith.constant 420971 : i32
    %ge3A_112 = vector.broadcast %ge3A_111 : i32 to vector<1024x1xi32>
    %ge3A_113 = arith.cmpi sge, %add3A_24, %ge3A_112 : vector<1024x1xi32>
    %lt3A_114 = arith.constant 486507 : i32
    %lt3A_115 = vector.broadcast %lt3A_114 : i32 to vector<1024x1xi32>
    %lt3A_116 = arith.cmpi slt, %add3A_24, %lt3A_115 : vector<1024x1xi32>
    %and3A_117 = arith.andi %ge3A_113, %lt3A_116 : vector<1024x1xi1>
    %convert_element_type3A_118 = arith.extui %and3A_117 : vector<1024x1xi1> to vector<1024x1xi32>
    %convert_element_type3A_119 = arith.sitofp %convert_element_type3A_118 : vector<1024x1xi32> to vector<1024x1xf32>
    %ge3A_120 = arith.constant 486507 : i32
    %ge3A_121 = vector.broadcast %ge3A_120 : i32 to vector<1024x1xi32>
    %ge3A_122 = arith.cmpi sge, %add3A_24, %ge3A_121 : vector<1024x1xi32>
    %lt3A_123 = arith.constant 552043 : i32
    %lt3A_124 = vector.broadcast %lt3A_123 : i32 to vector<1024x1xi32>
    %lt3A_125 = arith.cmpi slt, %add3A_24, %lt3A_124 : vector<1024x1xi32>
    %and3A_126 = arith.andi %ge3A_122, %lt3A_125 : vector<1024x1xi1>
    %convert_element_type3A_127 = arith.extui %and3A_126 : vector<1024x1xi1> to vector<1024x1xi32>
    %convert_element_type3A_128 = arith.sitofp %convert_element_type3A_127 : vector<1024x1xi32> to vector<1024x1xf32>
    %ge3A_129 = arith.constant 552043 : i32
    %ge3A_130 = vector.broadcast %ge3A_129 : i32 to vector<1024x1xi32>
    %ge3A_131 = arith.cmpi sge, %add3A_24, %ge3A_130 : vector<1024x1xi32>
    %lt3A_132 = arith.constant 617579 : i32
    %lt3A_133 = vector.broadcast %lt3A_132 : i32 to vector<1024x1xi32>
    %lt3A_134 = arith.cmpi slt, %add3A_24, %lt3A_133 : vector<1024x1xi32>
    %and3A_135 = arith.andi %ge3A_131, %lt3A_134 : vector<1024x1xi1>
    %convert_element_type3A_136 = arith.extui %and3A_135 : vector<1024x1xi1> to vector<1024x1xi32>
    %convert_element_type3A_137 = arith.sitofp %convert_element_type3A_136 : vector<1024x1xi32> to vector<1024x1xf32>
    %ge3A_138 = arith.constant 617579 : i32
    %ge3A_139 = vector.broadcast %ge3A_138 : i32 to vector<1024x1xi32>
    %ge3A_140 = arith.cmpi sge, %add3A_24, %ge3A_139 : vector<1024x1xi32>
    %lt3A_141 = arith.constant 683115 : i32
    %lt3A_142 = vector.broadcast %lt3A_141 : i32 to vector<1024x1xi32>
    %lt3A_143 = arith.cmpi slt, %add3A_24, %lt3A_142 : vector<1024x1xi32>
    %and3A_144 = arith.andi %ge3A_140, %lt3A_143 : vector<1024x1xi1>
    %convert_element_type3A_145 = arith.extui %and3A_144 : vector<1024x1xi1> to vector<1024x1xi32>
    %convert_element_type3A_146 = arith.sitofp %convert_element_type3A_145 : vector<1024x1xi32> to vector<1024x1xf32>
    %ge3A_147 = arith.constant 683115 : i32
    %ge3A_148 = vector.broadcast %ge3A_147 : i32 to vector<1024x1xi32>
    %ge3A_149 = arith.cmpi sge, %add3A_24, %ge3A_148 : vector<1024x1xi32>
    %lt3A_150 = arith.constant 748651 : i32
    %lt3A_151 = vector.broadcast %lt3A_150 : i32 to vector<1024x1xi32>
    %lt3A_152 = arith.cmpi slt, %add3A_24, %lt3A_151 : vector<1024x1xi32>
    %and3A_153 = arith.andi %ge3A_149, %lt3A_152 : vector<1024x1xi1>
    %convert_element_type3A_154 = arith.extui %and3A_153 : vector<1024x1xi1> to vector<1024x1xi32>
    %convert_element_type3A_155 = arith.sitofp %convert_element_type3A_154 : vector<1024x1xi32> to vector<1024x1xf32>
    %ge3A_156 = arith.constant 748651 : i32
    %ge3A_157 = vector.broadcast %ge3A_156 : i32 to vector<1024x1xi32>
    %ge3A_158 = arith.cmpi sge, %add3A_24, %ge3A_157 : vector<1024x1xi32>
    %lt3A_159 = arith.constant 814187 : i32
    %lt3A_160 = vector.broadcast %lt3A_159 : i32 to vector<1024x1xi32>
    %lt3A_161 = arith.cmpi slt, %add3A_24, %lt3A_160 : vector<1024x1xi32>
    %and3A_162 = arith.andi %ge3A_158, %lt3A_161 : vector<1024x1xi1>
    %convert_element_type3A_163 = arith.extui %and3A_162 : vector<1024x1xi1> to vector<1024x1xi32>
    %convert_element_type3A_164 = arith.sitofp %convert_element_type3A_163 : vector<1024x1xi32> to vector<1024x1xf32>
    %mul3A_165 = arith.constant 2.44140625E-4 : f32
    %mul3A_166 = vector.broadcast %mul3A_165 : f32 to vector<1024x1xf32>
    %mul3A_167 = arith.mulf %convert_element_type3A_29, %mul3A_166 : vector<1024x1xf32>
    %mul3A_168 = arith.constant 7.23379635E-5 : f32
    %mul3A_169 = vector.broadcast %mul3A_168 : f32 to vector<1024x1xf32>
    %mul3A_170 = arith.mulf %convert_element_type3A_38, %mul3A_169 : vector<1024x1xf32>
    %mul3A_171 = arith.constant 2.14334705E-5 : f32
    %mul3A_172 = vector.broadcast %mul3A_171 : f32 to vector<1024x1xf32>
    %mul3A_173 = arith.mulf %convert_element_type3A_47, %mul3A_172 : vector<1024x1xf32>
    %mul3A_174 = arith.constant 6.35065771E-6 : f32
    %mul3A_175 = vector.broadcast %mul3A_174 : f32 to vector<1024x1xf32>
    %mul3A_176 = arith.mulf %convert_element_type3A_56, %mul3A_175 : vector<1024x1xf32>
    %mul3A_177 = arith.constant 1.90734863E-6 : f32
    %mul3A_178 = vector.broadcast %mul3A_177 : f32 to vector<1024x1xf32>
    %mul3A_179 = arith.mulf %convert_element_type3A_65, %mul3A_178 : vector<1024x1xf32>
    %mul3A_180 = arith.constant 1.90734863E-6 : f32
    %mul3A_181 = vector.broadcast %mul3A_180 : f32 to vector<1024x1xf32>
    %mul3A_182 = arith.mulf %convert_element_type3A_74, %mul3A_181 : vector<1024x1xf32>
    %mul3A_183 = arith.constant 1.90734863E-6 : f32
    %mul3A_184 = vector.broadcast %mul3A_183 : f32 to vector<1024x1xf32>
    %mul3A_185 = arith.mulf %convert_element_type3A_83, %mul3A_184 : vector<1024x1xf32>
    %mul3A_186 = arith.constant 1.90734863E-6 : f32
    %mul3A_187 = vector.broadcast %mul3A_186 : f32 to vector<1024x1xf32>
    %mul3A_188 = arith.mulf %convert_element_type3A_92, %mul3A_187 : vector<1024x1xf32>
    %mul3A_189 = arith.constant 1.90734863E-6 : f32
    %mul3A_190 = vector.broadcast %mul3A_189 : f32 to vector<1024x1xf32>
    %mul3A_191 = arith.mulf %convert_element_type3A_101, %mul3A_190 : vector<1024x1xf32>
    %mul3A_192 = arith.constant 1.90734863E-6 : f32
    %mul3A_193 = vector.broadcast %mul3A_192 : f32 to vector<1024x1xf32>
    %mul3A_194 = arith.mulf %convert_element_type3A_110, %mul3A_193 : vector<1024x1xf32>
    %mul3A_195 = arith.constant 1.90734863E-6 : f32
    %mul3A_196 = vector.broadcast %mul3A_195 : f32 to vector<1024x1xf32>
    %mul3A_197 = arith.mulf %convert_element_type3A_119, %mul3A_196 : vector<1024x1xf32>
    %mul3A_198 = arith.constant 1.90734863E-6 : f32
    %mul3A_199 = vector.broadcast %mul3A_198 : f32 to vector<1024x1xf32>
    %mul3A_200 = arith.mulf %convert_element_type3A_128, %mul3A_199 : vector<1024x1xf32>
    %mul3A_201 = arith.constant 1.90734863E-6 : f32
    %mul3A_202 = vector.broadcast %mul3A_201 : f32 to vector<1024x1xf32>
    %mul3A_203 = arith.mulf %convert_element_type3A_137, %mul3A_202 : vector<1024x1xf32>
    %mul3A_204 = arith.constant 1.90734863E-6 : f32
    %mul3A_205 = vector.broadcast %mul3A_204 : f32 to vector<1024x1xf32>
    %mul3A_206 = arith.mulf %convert_element_type3A_146, %mul3A_205 : vector<1024x1xf32>
    %mul3A_207 = arith.constant 1.90734863E-6 : f32
    %mul3A_208 = vector.broadcast %mul3A_207 : f32 to vector<1024x1xf32>
    %mul3A_209 = arith.mulf %convert_element_type3A_155, %mul3A_208 : vector<1024x1xf32>
    %mul3A_210 = arith.constant 1.90734863E-6 : f32
    %mul3A_211 = vector.broadcast %mul3A_210 : f32 to vector<1024x1xf32>
    %mul3A_212 = arith.mulf %convert_element_type3A_164, %mul3A_211 : vector<1024x1xf32>
    %concatenate3A = tpu.concatenate %mul3A_167, %mul3A_170, %mul3A_173, %mul3A_176, %mul3A_179, %mul3A_182, %mul3A_185, %mul3A_188, %mul3A_191, %mul3A_194, %mul3A_197, %mul3A_200, %mul3A_203, %mul3A_206, %mul3A_209, %mul3A_212 in 1 : vector<1024x1xf32>, vector<1024x1xf32>, vector<1024x1xf32>, vector<1024x1xf32>, vector<1024x1xf32>, vector<1024x1xf32>, vector<1024x1xf32>, vector<1024x1xf32>, vector<1024x1xf32>, vector<1024x1xf32>, vector<1024x1xf32>, vector<1024x1xf32>, vector<1024x1xf32>, vector<1024x1xf32>, vector<1024x1xf32>, vector<1024x1xf32> -> vector<1024x16xf32>
    %dot_general3A_213 = arith.constant dense<0.000000e+00> : vector<1024x64xf32>
    %dot_general3A_214 = tpu.matmul %concatenate3A, %dot_general3A_21, %dot_general3A_213 {dimension_numbers = #tpu.dot_dimension_numbers<[1], [0], [0], [1], [0, 0, 1, 1], [], []>, precision = #tpu.contract_precision<fp32>, transpose_lhs_hint = false} : vector<1024x16xf32>, vector<16x64xf32>, vector<1024x64xf32> -> vector<1024x64xf32>
    %get3A_215 = arith.constant 0 : index
    %get3A_216 = arith.constant 0 : index
    %get3A_217 = vector.load %arg3[%get3A_215, %get3A_216] : memref<1x64xf32, #tpu.memory_space<vmem>>, vector<1x64xf32>
    %add3A_218 = vector.broadcast %get3A_217 : vector<1x64xf32> to vector<1024x64xf32>
    %add3A_219 = arith.addf %dot_general3A_214, %add3A_218 : vector<1024x64xf32>
    %swap3A = arith.constant 0 : index
    %swap3A_220 = arith.constant 0 : index
    %swap3A_221 = vector.load %arg4[%swap3A, %swap3A_220] : memref<1024x64xf32, #tpu.memory_space<vmem>>, vector<1024x64xf32>
    tpu.vector_store %arg4[%swap3A, %swap3A_220], %add3A_219 {strides = array<i32>} : memref<1024x64xf32, #tpu.memory_space<vmem>>, vector<1024x64xf32>,
    return
  }
  func.func @transform_0(%arg0: i32) -> (i32, i32) {
    %c0_i32 = arith.constant 0 : i32
    %c0_i32_0 = arith.constant 0 : i32
    %c0_i32_1 = arith.constant 0 : i32
    return %c0_i32, %c0_i32_0 : i32, i32
  }
  func.func @transform_1(%arg0: i32) -> (i32, i32) {
    %c0_i32 = arith.constant 0 : i32
    %c0_i32_0 = arith.constant 0 : i32
    %c0_i32_1 = arith.constant 0 : i32
    return %c0_i32, %c0_i32_0 : i32, i32
  }
  func.func @transform_2(%arg0: i32) -> (i32, i32) {
    %c0_i32 = arith.constant 0 : i32
    %c0_i32_0 = arith.constant 0 : i32
    %c0_i32_1 = arith.constant 0 : i32
    return %c0_i32, %c0_i32_0 : i32, i32
  }
  func.func @transform_3(%arg0: i32) -> (i32, i32) {
    %c0_i32 = arith.constant 0 : i32
    %c0_i32_0 = arith.constant 0 : i32
    return %arg0, %c0_i32 : i32, i32
  }
}

</mosaic_0001>

<sc_bundles>
// kernel: sparse-core-data-format-call.cloned.1.call-start
scs
called_computation_lowered:
.L_overlay_start_0:
0x0: {  	s2 =	sld [smem:$0x3FD9]  }
0x1: {  	s3 =	sld [smem:$0x3FFE];
	_ =	sdelay $0x1  }
0x2: {  	s1 =	srdreg.scid  }
0x3: {  	s0 =	sand.u32 $0x1, s1  }
0x4: {  	s18 =	sshll.u32 s0, $0xA;
	s2 =	sadd.s32 s3, s2  }
0x5: {  	s2 =	sadd.s32 s2, s18  }
0x6: {  	[smem:$0x3FC5] =	sst s2  }
0x7: {  	_ = 	snop  }
0x8: {  	s2 =	sld [smem:$0x3FD0];
	(tm) =	ssettm $0x1  }
0x9: {  	s19 =	sld [smem:$0x3FFB];
	_ =	sdelay $0x3  }
0xa: {  	_ =	strace s19  }
0xb: {  	s3 =	sld [smem:$0x3FFC];
	_ =	sdelay $0x3  }
0xc: {  	_ =	strace s3  }
0xd: {  	s3 =	sld [smem:$0x3FFD];
	_ =	sdelay $0x3  }
0xe: {  	_ =	strace s3  }
0xf: {  	_ =	strace $0x8FFFFFFF  }
0x10: {  	s20 =	sld [smem:$0x3FDB];
	_ =	sdelay $0x1  }
0x11: {  	s4 =	simm.s32 $_scs_section_size  }
0x12: {  	s5 =	simm.s32 $_size__tile_overlayer_lowered;
	s6 =	simm.s32 $_tile_overlayer_lowered  }
0x13: {  	s23 =	simm.s32 $0x1BFF;
	s22 =	sshll.u32 s6, $0x1;
	s3 =	sadd.s32 s4, s20  }
0x14: {  	s7 =	simm.s32 $0x0;
	s21 =	sshll.u32 s5, $0x1;
	s5 =	sadd.s32 s22, s3  }
0x15: {  	[timem:s7], [sflag:s23] =	dma.local [hbm:s5], s21  }
0x16: {  	_ =	swait.ge [sflag:s23], s21  }
0x17: {  	s4 =	ssub.s32 $0x0, s21;
	[sflag:s23] =	ssyncset.done $0x0  }
0x18: {  	[sflag:s23] =	ssyncadd.s32 s4;
	_ =	sdelay $0x1  }
0x19: {  	s24 =	simm.s32 $0x1B8B  }
0x1a: {  	_ =	swait.ge [sflag:s24], $0x1  }
0x1b: {  	[sflag:s24] =	ssyncset.done $0x0  }
0x1c: {  	s26 =	simm.s32 $0x1B8E;
	s25 =	sld [smem:$0x3FFE];
	[sflag:s24] =	ssyncadd.s32 $0xFFFFFFFF  }
0x1d: {  	s27 =	simm.s32 $execute0_lowered;
	[smem:$0x3FD2] =	sst s26  }
0x1e: {  	s5 =	sshll.u32 s27, $0x1;
	_ =	strace $0x80000046;
	[dreg:$0x1] =	wrdreg $0xFFFFFFFF  }
0x1f: {  	s28 =	simm.s32 $_size_execute0_lowered;
	s3 =	sadd.s32 s3, s5;
	[dreg:$0x0] =	wrdreg $0x0  }
0x20: {  	s5 =	sshll.u32 s28, $0x1;
	[dreg:$0x2] =	wrdreg s3  }
0x21: {  	[dreg:$0x3] =	wrdreg s5  }
0x22: {  	[dreg:$0x4] =	wrdreg $0xC0  }
0x23: {  	_ =	task [dreg:s7], $0x5FFFF  }
0x24: {  	[dreg:$0x1] =	wrdreg $0xFFFFFFFF  }
0x25: {  	[dreg:$0x0] =	wrdreg $0x60  }
0x26: {  	[dreg:$0x2] =	wrdreg s25  }
0x27: {  	[dreg:$0x3] =	wrdreg s2  }
0x28: {  	[dreg:$0x4] =	wrdreg $0x9  }
0x29: {  	_ =	task.clear_ibuf [dreg:s7], $0x5FFFF;
	_ =	strace $0x90000046  }
0x2a: {  	s29 =	simm.s32 $0x9;
	_ =	strace $0x80000048  }
0x2b: {  	_ =	swait.ge [sflag:s29], $0x1  }
0x2c: {  	[sflag:s29] =	ssyncadd.s32 $0xFFFFFFFF  }
0x2d: {  	_ =	strace $0x90000048  }
0x2e: {  	_ =	sfence  }
0x2f: {  	s30 =	sld [smem:$0x0];
	_ =	sdelay $0x2  }
0x30: {  	s31 =	sshll.u32 s1, $0xD;
	s1 =	sshrl.u32 s1, $0x2  }
0x31: {  	s3 =	sand.u32 $0x4000, s31;
	s1 =	sadd.s32 s1, s30  }
0x32: {  	s0 =	sor.u32 s3, s0;
	s1 =	sshll.u32 s1, $0x11  }
0x33: {  	s0 =	sor.u32 s1, s0  }
0x34: {  	s0 =	sadd.s32 $0x8F2B, s0  }
0x35: {  	[sflag:s0] =	ssyncadd.remote.s32 $0x1  }
0x36: {  	_ =	sfence.sel $0xFFFF  }
0x37: {  	[dreg:$0x0] =	wrdreg $0xFFFFFFFF;
	(pc) =	sbr.abs _section_cstart, $3  }
0x38: {  	[dreg:$0x1] =	wrdreg $0xFFFFFFFF  }
0x39: {  	_ =	task.clear_ibuf [dreg:s7], $0x2FFFF;
	_ =	strace $0x9FFFFFFF  }
0x3a: {  	(tm) =	ssettm $0x7FFFFFFF  }
0x3b: {  	_ =	shalt  }
tec
execute0_lowered:
.L_overlay_start_1:
0x0: {  	(tag) =	ssettag $0x1  }
0x1: {  	s5 =	rddreg [dreg:$0x0]  }
0x2: {  	s0 =	srdreg.scid;
	s2 =	rddreg [dreg:$0x1]  }
0x3: {  	s8 =	simm.s32 $0x2;
	s13 =	simm.s32 $0x0;
	p0 =	por $0x0, $0x0  }
0x4: {  	s9 =	simm.s32 $0xC6C700;
	s14 =	simm.s32 $0x0;
	s1 =	sshll.u32 s0, $0x4  }
0x5: {  	s10 =	simm.s32 $0x0;
	s0 =	stileid.u32;
	s1 =	sand.u32 $0x10, s1  }
0x6: {  	s12 =	simm.s32 $0x0;
	s4 =	sshll.u32 s0, $0x7;
	s3 =	sor.u32 s0, s1  }
.Ltmp0:
0x7: {  	s1 =	rddreg [dreg:$0x2];
	s3 =	sshrl.u32 s3, $0x3;
	(pc) =	sbr.rel .LBB1_1-.Ltmp0, $4  }
0x8: {  	_ =	strace $0x80000047;
	s4 =	sand.u32 $0x380, s4;
	s6 =	sshll.u32 s3, $0x4  }
0x9: {  	s31 =	ssub.s32 $0x636300, s4;
	s7 =	sadd.s32 s6, s5;
	s5 =	simm.s32 $0x1  }
0xa: {  	s11 =	smov.u32 s4;
	s6 =	sshrl.u32 s31, $0xA;
	[sflag:s5] =	ssyncpa.u1 $0x0  }
0xb: {  	s7 =	sadd.s32 $0xC6D200, s7;
	[sflag:s8] =	ssyncpa.u1 $0x0;
	s8 =	sadd.s32 $0x2, s6  }
.LBB1_5:
0xc: {  	[tilespmem:s20+$0x0 ss:$0x81] =	vst.msk $0xffff, v0  }
.LBB1_6:
0xd: {  	s17 =	sshll.u32 s10, $0x1;
	p1 =	sgt.s32 s10, $0x636300  }
0xe: {  	s18 =	sand.u32 $0x7F, s10;
	s14 =	smul.u32 $0x18D8E0, s14;
	s17 =	sand.u32 $0xFFFFFF00, s17  }
0xf: {  	s20 =	smov.u32 s10;
	s18 =	sor.u32 s18, s17;
	s17 =	smulhi.u32 $0xA4D906D9, s17  }
0x10: {  	s20 =	simm.s32 @!p1 $0x636300;
	s19 =	smulhi.u32 $0xA4D906D9, s18  }
0x11: {  	s16 =	sadd.s32 s16, s20  }
0x12: {  	s14 =	sadd.s32 s2, s14;
	s17 =	sshrl.u32 s17, $0x16;
	s19 =	sshrl.u32 s19, $0x16  }
0x13: {  	s16 =	sadd.s32 $0xFF9C9D00, s16;
	s17 =	sand.u32 $0x1, s17;
	s19 =	smul.u32 $0x636380, s19  }
0x14: {  	s28 =	sshll.u32 s16, $0x1;
	p1 =	seq.s32 s17, $0x1;
	s17 =	simm.s32 $0xC6C70  }
0x15: {  	s29 =	ssub.s32 $0x100, s28;
	s17 =	simm.s32 @!p1 $0x0;
	s18 =	ssub.s32 s18, s19  }
0x16: {  	p1 =	sgt.s32 s16, $0x7F;
	s16 =	sand.u32 $0x3FFFFFFE, s29;
	s30 =	sand.u32 $0x7, s18  }
0x17: {  	s14 =	sadd.s32 s17, s14;
	s18 =	sshrl.u32 s18, $0x3;
	s31 =	sshll.u32 s30, $0x12  }
0x18: {  	s16 =	simm.s32 @p1 $0x0;
	s14 =	sadd.s32 s18, s14;
	s17 =	sor.u32 $0x100, s31  }
0x19: {  	[hbm4b:s14+s17] =	stream.strided.scatter [tilespmem:s15], [sflag:$0x2], s16, s9, s17, $0x20;
	[tilespmem:$0x4040] =	vst v63  }
.LBB1_7:
0x1a: {  	p1 =	slt.u32 s12, $0x2  }
0x1b: {  	p2 =	sgt.s32 @!p1 s13, $0x636300  }
0x1c: {  	s14 =	smov.u32 s13;
	s15 =	sshra.s32 @!p1 s13, $0x1F;
	p2 =	por !p2, p1  }
0x1d: {  	s13 =	sand.u32 @!p1 s15, s13;
	s14 =	simm.s32 @p2 $0x636300  }
0x1e: {  	s13 =	ssub.s32 @!p1 s14, s13  }
0x1f: {  	s13 =	sadd.s32 @!p1 $0xFF9C9D00, s13  }
0x20: {  	s14 =	sshll.u32 @!p1 s13, $0x1  }
0x21: {  	p2 =	sgt.s32 @!p1 s13, $0x7F;
	s13 =	ssub.s32 @!p1 $0x100, s14  }
0x22: {  	s15 =	sadd.s32 $0x400, s11;
	p2 =	por !p2, p1;
	s13 =	sand.u32 @!p1 $0x3FFFFFFE, s13  }
0x23: {  	s13 =	simm.s32 @!p2 $0x0;
	p2 =	sgt.s32 s15, $0x636357  }
0x24: {  	s15 =	smov.u32 @p2 s4;
	p2 =	sne.s32 s12, s8  }
.Ltmp1:
0x25: {  	_ = 	snop;
	(pc) =	sbr.rel @!p2 .LBB1_8-.Ltmp1, $4  }
0x26: {  	p0 =	por !p0, !p0;
	s14 =	simm.s32 @!p1 $0x2  }
0x27: {  	_ =	swait.ge @!p1 [sflag:s14], s13;
	s16 =	ssub.s32 @!p1 $0x0, s13;
	s13 =	smov.u32 s10  }
0x28: {  	s12 =	sadd.s32 $0x1, s12;
	s10 =	smov.u32 s11;
	[sflag:s14] =	ssyncset.done @!p1 $0x0  }
0x29: {  	s11 =	smov.u32 s15;
	[sflag:s14] =	ssyncadd.s32 @!p1 s16;
	s14 =	smov.u32 s3  }
.LBB1_1:
0x2a: {  	p1 =	sgt.u32 s12, s6  }
0x2b: {  	p2 =	sgt.s32 @!p1 s11, $0x6362D8  }
0x2c: {  	s15 =	smov.u32 s11;
	s16 =	sshra.s32 @!p1 s11, $0x1F;
	p2 =	por !p2, p1  }
0x2d: {  	s16 =	sand.u32 @!p1 s16, s11;
	s15 =	simm.s32 @p2 $0x6362D8  }
0x2e: {  	s15 =	ssub.s32 @!p1 s15, s16  }
0x2f: {  	s17 =	sxor.u32 @!p1 $0xFFFFFFFF, s12;
	s15 =	sadd.s32 @!p1 $0xFF9C9D28, s15  }
0x30: {  	s18 =	simm.s32 @!p1 $0x20;
	s19 =	simm.s32 @!p1 $0x200;
	s16 =	sshll.u32 @!p1 s15, $0x5  }
0x31: {  	p2 =	sgt.s32 @!p1 s15, $0x7F;
	s15 =	ssub.s32 @!p1 $0x1000, s16;
	s16 =	sshll.u32 @!p1 s17, $0xC  }
0x32: {  	p2 =	por !p2, p1;
	s17 =	sshll.u32 @!p1 s11, $0x6;
	s15 =	sand.u32 @!p1 $0x3FFFFFE0, s15  }
0x33: {  	s16 =	sand.u32 @!p1 $0x1000, s16;
	s17 =	sadd.s32 @!p1 s17, s7;
	s15 =	simm.s32 @!p2 $0x0  }
0x34: {  	[tilespmem:s16], [sflag:$0x1] =	stream.strided.gather @!p1 [hbm4b:s17+s18], s15, s19, s18, $0x38;
	[tilespmem:$0x4040] =	vst v63  }
0x35: {  	p1 =	seq.s32 s12, $0x0  }
0x36: {  	p2 =	sge.u32 @!p1 s12, s8  }
0x37: {  	p1 =	por p1, p2  }
.Ltmp2:
0x38: {  	_ = 	snop;
	(pc) =	sbr.rel @p1 .LBB1_7-.Ltmp2, $1  }
0x39: {  	_ =	sdelay $0x3  }
0x3a: {  	s15 =	ssub.s32 $0x0, s10  }
0x3b: {  	s16 =	sshra.s32 s10, $0x1F;
	p1 =	sgt.s32 s10, $0x6362D8;
	s17 =	smov.u32 s10  }
0x3c: {  	s16 =	sand.u32 s15, s16;
	s17 =	simm.s32 @!p1 $0x6362D8  }
0x3d: {  	s15 =	sadd.s32 s16, s17  }
0x3e: {  	s17 =	sadd.s32 $0x80, s10;
	s15 =	sadd.s32 $0xFF9C9D28, s15  }
0x3f: {  	p2 =	slt.s32 s17, $0x636358;
	s30 =	sshll.u32 s15, $0x5  }
0x40: {  	s17 =	simm.s32 @!p2 $0x636358;
	s31 =	ssub.s32 $0x1000, s30  }
0x41: {  	p1 =	sgt.s32 s15, $0x7F;
	s17 =	ssub.s32 s17, s10;
	s15 =	sand.u32 $0x3FFFFFE0, s31  }
0x42: {  	s15 =	simm.s32 @p1 $0x0;
	p1 =	slt.s32 s17, $0x1  }
.Ltmp3:
0x43: {  	_ = 	snop;
	(pc) =	sbr.rel @p1 .LBB1_6-.Ltmp3, $4  }
0x44: {  	s18 =	sand.u32 $0x1, s12  }
0x45: {  	s18 =	smul.u32 $0x1020, s18;
	_ =	swait.ge [sflag:s5], s15  }
0x46: {  	s15 =	ssub.s32 $0x0, s15;
	[sflag:s5] =	ssyncset.done $0x0  }
0x47: {  	[sflag:s5] =	ssyncadd.s32 s15;
	s15 =	sor.u32 $0x2000, s18  }
0x48: {  	s18 =	simm.s32 $0x0;
	s19 =	simm.s32 $0x1  }
0x49: {  	s18 =	sand.u32 $0x1E, s18;
	s19 =	simm.s32 @!p0 $0x0  }
0x4a: {  	p1 =	sne.s32 s17, $0x1;
	s20 =	smul.u32 $0x204, s18;
	s18 =	sshll.u32 s19, $0xC  }
.Ltmp4:
0x4b: {  	v0 =	vld [tilespmem:s18+$0x0];
	(pc) =	sbr.rel @!p1 .LBB1_5-.Ltmp4, $4  }
0x4c: {  	_ = 	snop  }
0x4d: {  	s31 =	simm.s32 $0x0;
	s20 =	sshrl.u32 s20, $0x2  }
0x4e: {  	s21 =	sand.u32 $0x7F, s31;
	s20 =	sadd.s32 s20, s15  }
0x4f: {  	s19 =	simm.s32 $0x1;
	s20 =	sadd.s32 s21, s20  }
.LBB1_4:
0x50: {  	s21 =	sshrl.u32 s19, $0x6  }
0x51: {  	[tilespmem:s20+$0x0 ss:$0x81] =	vst.msk $0xffff, v0;
	s20 =	smov.u32 s19;
	s19 =	sadd.s32 $0x1, s19;
	s21 =	sand.u32 $0x1E, s21  }
0x52: {  	s18 =	sadd.s32 $0x20, s18;
	p1 =	sne.s32 s17, s19;
	s21 =	smul.u32 $0x204, s21  }
.Ltmp5:
0x53: {  	v0 =	vld [tilespmem:s18+$0x0];
	(pc) =	sbr.rel @p1 .LBB1_4-.Ltmp5, $4  }
0x54: {  	_ = 	snop  }
0x55: {  	s21 =	sshrl.u32 s21, $0x2  }
0x56: {  	s20 =	sand.u32 $0x7F, s20;
	s21 =	sadd.s32 s21, s15  }
0x57: {  	s20 =	sadd.s32 s20, s21  }
.Ltmp6:
0x58: {  	_ = 	snop;
	(pc) =	sbr.rel .LBB1_5-.Ltmp6, $1  }
0x59: {  	_ =	sdelay $0x3  }
.LBB1_8:
0x5a: {  	_ =	sfence.sel $0x180000  }
0x5b: {  	s2 =	simm.s32 $0x1;
	[bflag:$0x0] =	sbarrier.arrive $0xFFFF  }
0x5c: {  	s31 =	simm.s32 $0x2;
	[sflag:s2] =	ssyncpa.u1 $0x1  }
0x5d: {  	[sflag:s31] =	ssyncpa.u1 $0x1  }
0x5e: {  	p0 =	sne.s32 s0, $0x0;
	_ =	strace $0x90000047  }
0x5f: {  	s0 =	sadd.s32 @!p0 $0x100000, s1;
	[bflag:$0x2] =	sbarrier.arrive $0xFFFF  }
0x60: {  	[sflag:s0] =	ssyncadd.tile.s32 @!p0 $0x1;
	_ =	shalt  }
.Lfunc_end1:
_tile_overlayer_lowered:
.L_overlay_start_2:
0x61: {  	(tag) =	ssettag $0x2  }
0x62: {  	s0 =	rddreg [dreg:$0x0];
	s2 =	stileid.u32  }
0x63: {  	s1 =	rddreg [dreg:$0x1];
	p0 =	sne.s32 s2, $0x0  }
0x64: {  	s3 =	rddreg [dreg:$0x2];
	[bflag:$0x3] =	sbarrier.arrive $0xFFFF;
	s2 =	simm.s32 @!p0 $0x1C01  }
0x65: {  	[timem:s3], [sflag:s2] =	dma.local @!p0 [hbm:s0], s1  }
0x66: {  	s0 =	simm.s32 @!p0 $0x1  }
0x67: {  	_ =	swait.ge @!p0 [sflag:s0], s1  }
0x68: {  	s1 =	ssub.s32 @!p0 $0x0, s1;
	[sflag:s0] =	ssyncset.done @!p0 $0x0  }
0x69: {  	[sflag:s0] =	ssyncadd.s32 @!p0 s1  }
0x6a: {  	[bflag:$0x3] =	sbarrier.arrive $0xFFFF  }
0x6b: {  	_ =	shalt  }

</sc_bundles>
